<compile_context>
chip_gen: v7x
topology: tpu7x:2x2x1
jax: 0.10.2.dev20260603
libtpu: 0.0.44.dev20260713+nightly
codegen_flags: <defaults>
</compile_context>

<pallas_src>
import functools

import jax
import jax.numpy as jnp
from jax import lax
from jax.experimental import pallas as pl
from jax.experimental.pallas import tpu as pltpu
from jax.experimental.pallas import tpu_sc as plsc

NC = 2
NS = 16
NW = NC * NS
A = 10000
A_PAD = 10240
D = 128
PAIRS = 320000
C = 80
CHUNKS_PER_W = PAIRS // (NW * C)
ROWS_PER_TILE = A_PAD // NS
LOAD_ROWS = C
N_LOADS = CHUNKS_PER_W
PW = PAIRS // NW

_mesh = plsc.VectorSubcoreMesh(
    core_axis_name="c", subcore_axis_name="s", num_cores=NC, num_subcores=NS
)


@functools.partial(
    pl.kernel,
    out_type=jax.ShapeDtypeStruct((NC, A_PAD, D), jnp.float32),
    mesh=_mesh,
    scratch_types=[
        pltpu.VMEM((CHUNKS_PER_W, C), jnp.int32),
        pltpu.VMEM((3, LOAD_ROWS, D), jnp.float32),
        pltpu.VMEM_SHARED((A_PAD, D), jnp.float32),
        pltpu.SemaphoreType.DMA((3,)),
        pltpu.SemaphoreType.DMA((3,)),
        pltpu.SemaphoreType.DMA((2,)),
    ],
)
def _scatter_partials(idx_hbm, inter_hbm, zeros_hbm, out_hbm,
                      idx_v, rows_v, acc_sh, lsem, ssem, psem):
    c = lax.axis_index("c")
    s = lax.axis_index("s")
    w = s * NC + c

    def load_desc(i, b):
        return pltpu.make_async_copy(
            inter_hbm.at[pl.ds(w * PW + i * LOAD_ROWS, LOAD_ROWS)],
            rows_v.at[b], lsem.at[b])

    def scat_desc(i, b):
        return pltpu.make_async_copy(
            rows_v.at[b], acc_sh.at[idx_v.at[i]], ssem.at[b])

    load_desc(0, 0).start()
    load_desc(1, 1).start()
    stripe = pl.ds(s * ROWS_PER_TILE, ROWS_PER_TILE)
    zdesc = pltpu.make_async_copy(zeros_hbm.at[stripe], acc_sh.at[stripe],
                                  psem.at[0])
    idesc = pltpu.make_async_copy(idx_hbm.at[w], idx_v, psem.at[1])
    zdesc.start()
    idesc.start()
    zdesc.wait()
    idesc.wait()
    plsc.subcore_barrier()

    def body(i, carry):
        b = lax.rem(i, 3)
        load_desc(i, b).wait()
        pltpu.async_copy(rows_v.at[b], acc_sh.at[idx_v.at[i]],
                         ssem.at[b], add=True)
        @pl.when(i + 2 < N_LOADS)
        def _():
            nb = lax.rem(i + 2, 3)
            @pl.when(i >= 1)
            def _():
                scat_desc(i - 1, nb).wait()
            load_desc(i + 2, nb).start()
        return carry

    lax.fori_loop(0, N_LOADS, body, 0)

    for t in (3, 2, 1):
        scat_desc(N_LOADS - t, lax.rem(N_LOADS - t, 3)).wait()

    plsc.subcore_barrier()
    pltpu.sync_copy(acc_sh.at[stripe], out_hbm.at[c, stripe])


def _merge_body(p_ref, o_ref):
    o_ref[...] = p_ref[0] + p_ref[1]


_MERGE_ROWS = 5000


def _merge(partials):
    return pl.pallas_call(
        _merge_body,
        grid=(A // _MERGE_ROWS,),
        in_specs=[pl.BlockSpec((NC, _MERGE_ROWS, D), lambda i: (0, i, 0))],
        out_specs=pl.BlockSpec((_MERGE_ROWS, D), lambda i: (i, 0)),
        out_shape=jax.ShapeDtypeStruct((A, D), jnp.float32),
    )(partials)


def kernel(ind_2, prop, inter):
    idx = ind_2[:, 0].astype(jnp.int32).reshape(NW, CHUNKS_PER_W, C)
    zeros = jnp.zeros((A_PAD, D), jnp.float32)
    partials = _scatter_partials(idx, inter, zeros)
    return _merge(partials)

# --- scband reference (transcript-rebuilt; emitter-appended) ---
"""Pipeline reference for scband-iplayer-torch-57913339019791 (READ-ONLY COPY).

The authoritative reference and input builder live on the scoring server;
editing this copy changes nothing except your own understanding.
"""

import jax, jax.numpy as jnp
import numpy as np

N_ATOMS = 10000
N_PAIRS = 320000
D = 128

def setup_inputs(seed: int = 0) -> dict:
    key = jax.random.key(seed)
    k1, k2, k3 = jax.random.split(key, 3)
    ind_2 = jax.random.randint(k1, (N_PAIRS, 2), 0, N_ATOMS, dtype=jnp.int64) if jax.config.jax_enable_x64 else jax.random.randint(k1, (N_PAIRS, 2), 0, N_ATOMS, dtype=jnp.int32)
    prop = jax.random.normal(k2, (N_ATOMS, D), dtype=jnp.float32)
    inter = jax.random.normal(k3, (N_PAIRS, D), dtype=jnp.float32)
    return {"ind_2": ind_2, "prop": prop, "inter": inter}

def reference(ind_2, prop, inter):
    # Mirrors: out = zeros(n_atoms, n_inter); out.index_add_(0, ind_2[:,0], inter)
    n_atoms = prop.shape[0]
    ind_i = ind_2[:, 0]
    out = jax.ops.segment_sum(inter, ind_i, num_segments=n_atoms)
    return out

if __name__ == "__main__":
    import jax
    _d = setup_inputs()
    print(jax.jit(kernel)(*tuple(_d.values())))

</pallas_src>

<mosaic_0001>
#map = affine_map<(d0, d1) -> (0, 0, 0)>
#map1 = affine_map<(d0, d1) -> (0, 0)>
module attributes {stable_mosaic.version = 14 : i64} {
  func.func @_scatter_partials(%arg0: i32, %arg1: i32, %arg2: memref<32x125x80xi32, #tpu.memory_space<hbm>>, %arg3: memref<320000x128xf32, #tpu.memory_space<hbm>>, %arg4: memref<10240x128xf32, #tpu.memory_space<hbm>>, %arg5: memref<2x10240x128xf32, #tpu.memory_space<hbm>>, %arg6: memref<125x80xi32, #tpu.memory_space<vmem>>, %arg7: memref<3x80x128xf32, #tpu.memory_space<vmem>>, %arg8: memref<10240x128xf32, #tpu.memory_space<vmem_shared>>, %arg9: memref<3x!tpu.dma_semaphore, #tpu.memory_space<semaphore_mem>>, %arg10: memref<3x!tpu.dma_semaphore, #tpu.memory_space<semaphore_mem>>, %arg11: memref<2x!tpu.dma_semaphore, #tpu.memory_space<semaphore_mem>>) attributes {dimension_semantics = [#tpu.dimension_semantics<core_parallel>, #tpu.dimension_semantics<subcore_parallel>], iteration_bounds = array<i64: 2, 16>, scalar_prefetch = 0 : i64, scratch_operands = 6 : i64, tpu.core_type = #tpu.core_type<sc_vector_subcore>, window_params = [{transform_indices = #map}, {transform_indices = #map1}, {transform_indices = #map1}, {transform_indices = #map}]} {
    %mul3A = arith.constant 2 : i32
    %mul3A_0 = arith.muli %arg1, %mul3A : i32
    %add3A = arith.addi %mul3A_0, %arg0 : i32
    %mul3A_1 = arith.constant 10000 : i32
    %mul3A_2 = arith.muli %add3A, %mul3A_1 : i32
    %add3A_3 = arith.constant 0 : i32
    %add3A_4 = arith.addi %mul3A_2, %add3A_3 : i32
    %dma_start3A = arith.constant 0 : i32
    %dma_start3A_5 = arith.constant 0 : i32
    %dma_start3A_6 = arith.constant 0 : i32
    %dma_start3A_7 = arith.constant 0 : i32
    %dma_start3A_8 = tpu.memref_slice %arg7[%dma_start3A, %dma_start3A_6, %dma_start3A_7] : memref<3x80x128xf32, #tpu.memory_space<vmem>> -> memref<1x80x128xf32, #tpu.memory_space<vmem>>
    %dma_start3A_9 = tpu.memref_squeeze %dma_start3A_8 : memref<1x80x128xf32, #tpu.memory_space<vmem>> -> memref<80x128xf32, #tpu.memory_space<vmem>>
    %dma_start3A_10 = arith.constant 0 : i32
    %dma_start3A_11 = tpu.memref_slice %arg3[%add3A_4, %dma_start3A_10] : memref<320000x128xf32, #tpu.memory_space<hbm>> -> memref<80x128xf32, #tpu.memory_space<hbm>>
    %dma_start3A_12 = tpu.memref_slice %arg9[%dma_start3A_5] : memref<3x!tpu.dma_semaphore, #tpu.memory_space<semaphore_mem>> -> memref<1x!tpu.dma_semaphore, #tpu.memory_space<semaphore_mem>>
    %dma_start3A_13 = tpu.memref_squeeze %dma_start3A_12 : memref<1x!tpu.dma_semaphore, #tpu.memory_space<semaphore_mem>> -> memref<!tpu.dma_semaphore, #tpu.memory_space<semaphore_mem>>
    %dma_start3A_14 = arith.constant 0 : i32
    %dma_start3A_15 = arith.constant 0 : i32
    %dma_start3A_16 = tpu.memref_slice %arg7[%dma_start3A, %dma_start3A_14, %dma_start3A_15] : memref<3x80x128xf32, #tpu.memory_space<vmem>> -> memref<1x80x128xf32, #tpu.memory_space<vmem>>
    %dma_start3A_17 = tpu.memref_squeeze %dma_start3A_16 : memref<1x80x128xf32, #tpu.memory_space<vmem>> -> memref<80x128xf32, #tpu.memory_space<vmem>>
    %dma_start3A_18 = arith.constant 0 : i32
    %dma_start3A_19 = tpu.memref_slice %arg3[%add3A_4, %dma_start3A_18] : memref<320000x128xf32, #tpu.memory_space<hbm>> -> memref<80x128xf32, #tpu.memory_space<hbm>>
    tpu.enqueue_dma source(%dma_start3A_19 : memref<80x128xf32, #tpu.memory_space<hbm>>) target(%dma_start3A_17 : memref<80x128xf32, #tpu.memory_space<vmem>>) target_semaphore(%dma_start3A_13 : memref<!tpu.dma_semaphore, #tpu.memory_space<semaphore_mem>>)
    %mul3A_20 = arith.constant 10000 : i32
    %mul3A_21 = arith.muli %add3A, %mul3A_20 : i32
    %add3A_22 = arith.constant 80 : i32
    %add3A_23 = arith.addi %mul3A_21, %add3A_22 : i32
    %dma_start3A_24 = arith.constant 1 : i32
    %dma_start3A_25 = arith.constant 1 : i32
    %dma_start3A_26 = arith.constant 0 : i32
    %dma_start3A_27 = arith.constant 0 : i32
    %dma_start3A_28 = tpu.memref_slice %arg7[%dma_start3A_24, %dma_start3A_26, %dma_start3A_27] : memref<3x80x128xf32, #tpu.memory_space<vmem>> -> memref<1x80x128xf32, #tpu.memory_space<vmem>>
    %dma_start3A_29 = tpu.memref_squeeze %dma_start3A_28 : memref<1x80x128xf32, #tpu.memory_space<vmem>> -> memref<80x128xf32, #tpu.memory_space<vmem>>
    %dma_start3A_30 = arith.constant 0 : i32
    %dma_start3A_31 = tpu.memref_slice %arg3[%add3A_23, %dma_start3A_30] : memref<320000x128xf32, #tpu.memory_space<hbm>> -> memref<80x128xf32, #tpu.memory_space<hbm>>
    %dma_start3A_32 = tpu.memref_slice %arg9[%dma_start3A_25] : memref<3x!tpu.dma_semaphore, #tpu.memory_space<semaphore_mem>> -> memref<1x!tpu.dma_semaphore, #tpu.memory_space<semaphore_mem>>
    %dma_start3A_33 = tpu.memref_squeeze %dma_start3A_32 : memref<1x!tpu.dma_semaphore, #tpu.memory_space<semaphore_mem>> -> memref<!tpu.dma_semaphore, #tpu.memory_space<semaphore_mem>>
    %dma_start3A_34 = arith.constant 0 : i32
    %dma_start3A_35 = arith.constant 0 : i32
    %dma_start3A_36 = tpu.memref_slice %arg7[%dma_start3A_24, %dma_start3A_34, %dma_start3A_35] : memref<3x80x128xf32, #tpu.memory_space<vmem>> -> memref<1x80x128xf32, #tpu.memory_space<vmem>>
    %dma_start3A_37 = tpu.memref_squeeze %dma_start3A_36 : memref<1x80x128xf32, #tpu.memory_space<vmem>> -> memref<80x128xf32, #tpu.memory_space<vmem>>
    %dma_start3A_38 = arith.constant 0 : i32
    %dma_start3A_39 = tpu.memref_slice %arg3[%add3A_23, %dma_start3A_38] : memref<320000x128xf32, #tpu.memory_space<hbm>> -> memref<80x128xf32, #tpu.memory_space<hbm>>
    tpu.enqueue_dma source(%dma_start3A_39 : memref<80x128xf32, #tpu.memory_space<hbm>>) target(%dma_start3A_37 : memref<80x128xf32, #tpu.memory_space<vmem>>) target_semaphore(%dma_start3A_33 : memref<!tpu.dma_semaphore, #tpu.memory_space<semaphore_mem>>)
    %mul3A_40 = arith.constant 640 : i32
    %mul3A_41 = arith.muli %arg1, %mul3A_40 : i32
    %dma_start3A_42 = arith.constant 0 : i32
    %dma_start3A_43 = tpu.memref_slice %arg11[%dma_start3A_42] : memref<2x!tpu.dma_semaphore, #tpu.memory_space<semaphore_mem>> -> memref<1x!tpu.dma_semaphore, #tpu.memory_space<semaphore_mem>>
    %dma_start3A_44 = tpu.memref_squeeze %dma_start3A_43 : memref<1x!tpu.dma_semaphore, #tpu.memory_space<semaphore_mem>> -> memref<!tpu.dma_semaphore, #tpu.memory_space<semaphore_mem>>
    %dma_start3A_45 = arith.constant 0 : i32
    %dma_start3A_46 = tpu.memref_slice %arg8[%mul3A_41, %dma_start3A_45] : memref<10240x128xf32, #tpu.memory_space<vmem_shared>> -> memref<640x128xf32, #tpu.memory_space<vmem_shared>>
    %dma_start3A_47 = arith.constant 0 : i32
    %dma_start3A_48 = tpu.memref_slice %arg4[%mul3A_41, %dma_start3A_47] : memref<10240x128xf32, #tpu.memory_space<hbm>> -> memref<640x128xf32, #tpu.memory_space<hbm>>
    tpu.enqueue_dma source(%dma_start3A_48 : memref<640x128xf32, #tpu.memory_space<hbm>>) target(%dma_start3A_46 : memref<640x128xf32, #tpu.memory_space<vmem_shared>>) target_semaphore(%dma_start3A_44 : memref<!tpu.dma_semaphore, #tpu.memory_space<semaphore_mem>>)
    %dma_start3A_49 = arith.constant 1 : i32
    %dma_start3A_50 = arith.constant 0 : i32
    %dma_start3A_51 = arith.constant 0 : i32
    %dma_start3A_52 = tpu.memref_slice %arg2[%add3A, %dma_start3A_50, %dma_start3A_51] : memref<32x125x80xi32, #tpu.memory_space<hbm>> -> memref<1x125x80xi32, #tpu.memory_space<hbm>>
    %dma_start3A_53 = tpu.memref_squeeze %dma_start3A_52 : memref<1x125x80xi32, #tpu.memory_space<hbm>> -> memref<125x80xi32, #tpu.memory_space<hbm>>
    %dma_start3A_54 = tpu.memref_slice %arg11[%dma_start3A_49] : memref<2x!tpu.dma_semaphore, #tpu.memory_space<semaphore_mem>> -> memref<1x!tpu.dma_semaphore, #tpu.memory_space<semaphore_mem>>
    %dma_start3A_55 = tpu.memref_squeeze %dma_start3A_54 : memref<1x!tpu.dma_semaphore, #tpu.memory_space<semaphore_mem>> -> memref<!tpu.dma_semaphore, #tpu.memory_space<semaphore_mem>>
    %dma_start3A_56 = arith.constant 0 : i32
    %dma_start3A_57 = arith.constant 0 : i32
    %dma_start3A_58 = tpu.memref_slice %arg2[%add3A, %dma_start3A_56, %dma_start3A_57] : memref<32x125x80xi32, #tpu.memory_space<hbm>> -> memref<1x125x80xi32, #tpu.memory_space<hbm>>
    %dma_start3A_59 = tpu.memref_squeeze %dma_start3A_58 : memref<1x125x80xi32, #tpu.memory_space<hbm>> -> memref<125x80xi32, #tpu.memory_space<hbm>>
    tpu.enqueue_dma source(%dma_start3A_59 : memref<125x80xi32, #tpu.memory_space<hbm>>) target(%arg6 : memref<125x80xi32, #tpu.memory_space<vmem>>) target_semaphore(%dma_start3A_55 : memref<!tpu.dma_semaphore, #tpu.memory_space<semaphore_mem>>)
    %dma_wait3A = arith.constant 0 : i32
    %dma_wait3A_60 = tpu.memref_slice %arg11[%dma_wait3A] : memref<2x!tpu.dma_semaphore, #tpu.memory_space<semaphore_mem>> -> memref<1x!tpu.dma_semaphore, #tpu.memory_space<semaphore_mem>>
    %dma_wait3A_61 = tpu.memref_squeeze %dma_wait3A_60 : memref<1x!tpu.dma_semaphore, #tpu.memory_space<semaphore_mem>> -> memref<!tpu.dma_semaphore, #tpu.memory_space<semaphore_mem>>
    %dma_wait3A_62 = arith.constant 0 : i32
    %dma_wait3A_63 = tpu.memref_slice %arg8[%mul3A_41, %dma_wait3A_62] : memref<10240x128xf32, #tpu.memory_space<vmem_shared>> -> memref<640x128xf32, #tpu.memory_space<vmem_shared>>
    %dma_wait3A_64 = arith.constant 0 : i32
    %dma_wait3A_65 = tpu.memref_slice %arg4[%mul3A_41, %dma_wait3A_64] : memref<10240x128xf32, #tpu.memory_space<hbm>> -> memref<640x128xf32, #tpu.memory_space<hbm>>
    tpu.wait_dma2 semaphore(%dma_wait3A_61 : memref<!tpu.dma_semaphore, #tpu.memory_space<semaphore_mem>>) src(%dma_wait3A_65 : memref<640x128xf32, #tpu.memory_space<hbm>>) dst(%dma_wait3A_63 : memref<640x128xf32, #tpu.memory_space<vmem_shared>>)
    %dma_wait3A_66 = arith.constant 1 : i32
    %dma_wait3A_67 = arith.constant 0 : i32
    %dma_wait3A_68 = arith.constant 0 : i32
    %dma_wait3A_69 = tpu.memref_slice %arg2[%add3A, %dma_wait3A_67, %dma_wait3A_68] : memref<32x125x80xi32, #tpu.memory_space<hbm>> -> memref<1x125x80xi32, #tpu.memory_space<hbm>>
    %dma_wait3A_70 = tpu.memref_squeeze %dma_wait3A_69 : memref<1x125x80xi32, #tpu.memory_space<hbm>> -> memref<125x80xi32, #tpu.memory_space<hbm>>
    %dma_wait3A_71 = tpu.memref_slice %arg11[%dma_wait3A_66] : memref<2x!tpu.dma_semaphore, #tpu.memory_space<semaphore_mem>> -> memref<1x!tpu.dma_semaphore, #tpu.memory_space<semaphore_mem>>
    %dma_wait3A_72 = tpu.memref_squeeze %dma_wait3A_71 : memref<1x!tpu.dma_semaphore, #tpu.memory_space<semaphore_mem>> -> memref<!tpu.dma_semaphore, #tpu.memory_space<semaphore_mem>>
    %dma_wait3A_73 = arith.constant 0 : i32
    %dma_wait3A_74 = arith.constant 0 : i32
    %dma_wait3A_75 = tpu.memref_slice %arg2[%add3A, %dma_wait3A_73, %dma_wait3A_74] : memref<32x125x80xi32, #tpu.memory_space<hbm>> -> memref<1x125x80xi32, #tpu.memory_space<hbm>>
    %dma_wait3A_76 = tpu.memref_squeeze %dma_wait3A_75 : memref<1x125x80xi32, #tpu.memory_space<hbm>> -> memref<125x80xi32, #tpu.memory_space<hbm>>
    tpu.wait_dma2 semaphore(%dma_wait3A_72 : memref<!tpu.dma_semaphore, #tpu.memory_space<semaphore_mem>>) src(%dma_wait3A_76 : memref<125x80xi32, #tpu.memory_space<hbm>>) dst(%arg6 : memref<125x80xi32, #tpu.memory_space<vmem>>)
    %barrier3A = arith.constant 0 : index
    tpu.barrier barrier_id(%barrier3A)
    %scan3A = arith.constant 0 : i32
    %scan3A_77 = arith.constant 0 : i32
    %scan3A_78 = arith.constant 125 : i32
    %scan3A_79 = arith.addi %scan3A_77, %scan3A_78 : i32
    %scan3A_80 = arith.constant 1 : i32
    scf.for %scan3A_130 = %scan3A_77 to %scan3A_79 step %scan3A_80  : i32 {
      %rem3A_131 = arith.constant 3 : i32
      %rem3A_132 = arith.remsi %scan3A_130, %rem3A_131 : i32
      %mul3A_133 = arith.constant 10000 : i32
      %mul3A_134 = arith.muli %add3A, %mul3A_133 : i32
      %mul3A_135 = arith.constant 80 : i32
      %mul3A_136 = arith.muli %scan3A_130, %mul3A_135 : i32
      %add3A_137 = arith.addi %mul3A_134, %mul3A_136 : i32
      %dma_wait3A_138 = arith.constant 0 : i32
      %dma_wait3A_139 = arith.constant 0 : i32
      %dma_wait3A_140 = tpu.memref_slice %arg7[%rem3A_132, %dma_wait3A_138, %dma_wait3A_139] : memref<3x80x128xf32, #tpu.memory_space<vmem>> -> memref<1x80x128xf32, #tpu.memory_space<vmem>>
      %dma_wait3A_141 = tpu.memref_squeeze %dma_wait3A_140 : memref<1x80x128xf32, #tpu.memory_space<vmem>> -> memref<80x128xf32, #tpu.memory_space<vmem>>
      %dma_wait3A_142 = arith.constant 0 : i32
      %dma_wait3A_143 = tpu.memref_slice %arg3[%add3A_137, %dma_wait3A_142] : memref<320000x128xf32, #tpu.memory_space<hbm>> -> memref<80x128xf32, #tpu.memory_space<hbm>>
      %dma_wait3A_144 = tpu.memref_slice %arg9[%rem3A_132] : memref<3x!tpu.dma_semaphore, #tpu.memory_space<semaphore_mem>> -> memref<1x!tpu.dma_semaphore, #tpu.memory_space<semaphore_mem>>
      %dma_wait3A_145 = tpu.memref_squeeze %dma_wait3A_144 : memref<1x!tpu.dma_semaphore, #tpu.memory_space<semaphore_mem>> -> memref<!tpu.dma_semaphore, #tpu.memory_space<semaphore_mem>>
      %dma_wait3A_146 = arith.constant 0 : i32
      %dma_wait3A_147 = arith.constant 0 : i32
      %dma_wait3A_148 = tpu.memref_slice %arg7[%rem3A_132, %dma_wait3A_146, %dma_wait3A_147] : memref<3x80x128xf32, #tpu.memory_space<vmem>> -> memref<1x80x128xf32, #tpu.memory_space<vmem>>
      %dma_wait3A_149 = tpu.memref_squeeze %dma_wait3A_148 : memref<1x80x128xf32, #tpu.memory_space<vmem>> -> memref<80x128xf32, #tpu.memory_space<vmem>>
      %dma_wait3A_150 = arith.constant 0 : i32
      %dma_wait3A_151 = tpu.memref_slice %arg3[%add3A_137, %dma_wait3A_150] : memref<320000x128xf32, #tpu.memory_space<hbm>> -> memref<80x128xf32, #tpu.memory_space<hbm>>
      tpu.wait_dma2 semaphore(%dma_wait3A_145 : memref<!tpu.dma_semaphore, #tpu.memory_space<semaphore_mem>>) src(%dma_wait3A_151 : memref<80x128xf32, #tpu.memory_space<hbm>>) dst(%dma_wait3A_149 : memref<80x128xf32, #tpu.memory_space<vmem>>)
      %dma_start3A_152 = arith.constant 0 : i32
      %dma_start3A_153 = arith.constant 0 : i32
      %dma_start3A_154 = tpu.memref_slice %arg7[%rem3A_132, %dma_start3A_152, %dma_start3A_153] : memref<3x80x128xf32, #tpu.memory_space<vmem>> -> memref<1x80x128xf32, #tpu.memory_space<vmem>>
      %dma_start3A_155 = tpu.memref_squeeze %dma_start3A_154 : memref<1x80x128xf32, #tpu.memory_space<vmem>> -> memref<80x128xf32, #tpu.memory_space<vmem>>
      %dma_start3A_156 = arith.constant 0 : i32
      %dma_start3A_157 = tpu.memref_slice %arg6[%scan3A_130, %dma_start3A_156] : memref<125x80xi32, #tpu.memory_space<vmem>> -> memref<1x80xi32, #tpu.memory_space<vmem>>
      %dma_start3A_158 = tpu.memref_squeeze %dma_start3A_157 : memref<1x80xi32, #tpu.memory_space<vmem>> -> memref<80xi32, #tpu.memory_space<vmem>>
      %dma_start3A_159 = arith.constant 0 : i32
      %dma_start3A_160 = arith.constant 0 : i32
      %dma_start3A_161 = tpu.memref_slice %arg8[%dma_start3A_159, %dma_start3A_160] : memref<10240x128xf32, #tpu.memory_space<vmem_shared>> -> memref<10240x128xf32, #tpu.memory_space<vmem_shared>>
      %dma_start3A_162 = tpu.memref_slice %arg10[%rem3A_132] : memref<3x!tpu.dma_semaphore, #tpu.memory_space<semaphore_mem>> -> memref<1x!tpu.dma_semaphore, #tpu.memory_space<semaphore_mem>>
      %dma_start3A_163 = tpu.memref_squeeze %dma_start3A_162 : memref<1x!tpu.dma_semaphore, #tpu.memory_space<semaphore_mem>> -> memref<!tpu.dma_semaphore, #tpu.memory_space<semaphore_mem>>
      tpu.enqueue_indirect_dma source(%dma_start3A_155 : memref<80x128xf32, #tpu.memory_space<vmem>>) target(%dma_start3A_161 : memref<10240x128xf32, #tpu.memory_space<vmem_shared>>) offsets(%dma_start3A_158 : memref<80xi32, #tpu.memory_space<vmem>>) semaphore(%dma_start3A_163 : memref<!tpu.dma_semaphore, #tpu.memory_space<semaphore_mem>>) {add = true}
      %add3A_164 = arith.constant 2 : i32
      %add3A_165 = arith.addi %scan3A_130, %add3A_164 : i32
      %lt3A = arith.constant 125 : i32
      %lt3A_166 = arith.cmpi slt, %add3A_165, %lt3A : i32
      %convert_element_type3A = arith.extui %lt3A_166 : i1 to i32
      %cond3A = arith.constant 0 : i32
      %cond3A_167 = arith.cmpi ne, %convert_element_type3A, %cond3A : i32
      scf.if %cond3A_167 {
        %add3A_168 = arith.constant 2 : i32
        %add3A_169 = arith.addi %scan3A_130, %add3A_168 : i32
        %rem3A_170 = arith.constant 3 : i32
        %rem3A_171 = arith.remsi %add3A_169, %rem3A_170 : i32
        %ge3A = arith.constant 1 : i32
        %ge3A_172 = arith.cmpi sge, %scan3A_130, %ge3A : i32
        %convert_element_type3A_173 = arith.extui %ge3A_172 : i1 to i32
        %cond3A_174 = arith.constant 0 : i32
        %cond3A_175 = arith.cmpi ne, %convert_element_type3A_173, %cond3A_174 : i32
        scf.if %cond3A_175 {
          %sub3A = arith.constant 1 : i32
          %sub3A_197 = arith.subi %scan3A_130, %sub3A : i32
          %dma_wait3A_198 = arith.constant 0 : i32
          %dma_wait3A_199 = arith.constant 0 : i32
          %dma_wait3A_200 = tpu.memref_slice %arg7[%rem3A_171, %dma_wait3A_198, %dma_wait3A_199] : memref<3x80x128xf32, #tpu.memory_space<vmem>> -> memref<1x80x128xf32, #tpu.memory_space<vmem>>
          %dma_wait3A_201 = tpu.memref_squeeze %dma_wait3A_200 : memref<1x80x128xf32, #tpu.memory_space<vmem>> -> memref<80x128xf32, #tpu.memory_space<vmem>>
          %dma_wait3A_202 = arith.constant 0 : i32
          %dma_wait3A_203 = tpu.memref_slice %arg6[%sub3A_197, %dma_wait3A_202] : memref<125x80xi32, #tpu.memory_space<vmem>> -> memref<1x80xi32, #tpu.memory_space<vmem>>
          %dma_wait3A_204 = tpu.memref_squeeze %dma_wait3A_203 : memref<1x80xi32, #tpu.memory_space<vmem>> -> memref<80xi32, #tpu.memory_space<vmem>>
          %dma_wait3A_205 = arith.constant 0 : i32
          %dma_wait3A_206 = arith.constant 0 : i32
          %dma_wait3A_207 = tpu.memref_slice %arg8[%dma_wait3A_205, %dma_wait3A_206] : memref<10240x128xf32, #tpu.memory_space<vmem_shared>> -> memref<10240x128xf32, #tpu.memory_space<vmem_shared>>
          %dma_wait3A_208 = tpu.memref_slice %arg10[%rem3A_171] : memref<3x!tpu.dma_semaphore, #tpu.memory_space<semaphore_mem>> -> memref<1x!tpu.dma_semaphore, #tpu.memory_space<semaphore_mem>>
          %dma_wait3A_209 = tpu.memref_squeeze %dma_wait3A_208 : memref<1x!tpu.dma_semaphore, #tpu.memory_space<semaphore_mem>> -> memref<!tpu.dma_semaphore, #tpu.memory_space<semaphore_mem>>
          tpu.wait_indirect_dma semaphore(%dma_wait3A_209 : memref<!tpu.dma_semaphore, #tpu.memory_space<semaphore_mem>>) src(%dma_wait3A_201 : memref<80x128xf32, #tpu.memory_space<vmem>>) dst(%dma_wait3A_207 : memref<10240x128xf32, #tpu.memory_space<vmem_shared>>)
        } else {
        }
        %add3A_176 = arith.constant 2 : i32
        %add3A_177 = arith.addi %scan3A_130, %add3A_176 : i32
        %mul3A_178 = arith.constant 10000 : i32
        %mul3A_179 = arith.muli %add3A, %mul3A_178 : i32
        %mul3A_180 = arith.constant 80 : i32
        %mul3A_181 = arith.muli %add3A_177, %mul3A_180 : i32
        %add3A_182 = arith.addi %mul3A_179, %mul3A_181 : i32
        %dma_start3A_183 = arith.constant 0 : i32
        %dma_start3A_184 = arith.constant 0 : i32
        %dma_start3A_185 = tpu.memref_slice %arg7[%rem3A_171, %dma_start3A_183, %dma_start3A_184] : memref<3x80x128xf32, #tpu.memory_space<vmem>> -> memref<1x80x128xf32, #tpu.memory_space<vmem>>
        %dma_start3A_186 = tpu.memref_squeeze %dma_start3A_185 : memref<1x80x128xf32, #tpu.memory_space<vmem>> -> memref<80x128xf32, #tpu.memory_space<vmem>>
        %dma_start3A_187 = arith.constant 0 : i32
        %dma_start3A_188 = tpu.memref_slice %arg3[%add3A_182, %dma_start3A_187] : memref<320000x128xf32, #tpu.memory_space<hbm>> -> memref<80x128xf32, #tpu.memory_space<hbm>>
        %dma_start3A_189 = tpu.memref_slice %arg9[%rem3A_171] : memref<3x!tpu.dma_semaphore, #tpu.memory_space<semaphore_mem>> -> memref<1x!tpu.dma_semaphore, #tpu.memory_space<semaphore_mem>>
        %dma_start3A_190 = tpu.memref_squeeze %dma_start3A_189 : memref<1x!tpu.dma_semaphore, #tpu.memory_space<semaphore_mem>> -> memref<!tpu.dma_semaphore, #tpu.memory_space<semaphore_mem>>
        %dma_start3A_191 = arith.constant 0 : i32
        %dma_start3A_192 = arith.constant 0 : i32
        %dma_start3A_193 = tpu.memref_slice %arg7[%rem3A_171, %dma_start3A_191, %dma_start3A_192] : memref<3x80x128xf32, #tpu.memory_space<vmem>> -> memref<1x80x128xf32, #tpu.memory_space<vmem>>
        %dma_start3A_194 = tpu.memref_squeeze %dma_start3A_193 : memref<1x80x128xf32, #tpu.memory_space<vmem>> -> memref<80x128xf32, #tpu.memory_space<vmem>>
        %dma_start3A_195 = arith.constant 0 : i32
        %dma_start3A_196 = tpu.memref_slice %arg3[%add3A_182, %dma_start3A_195] : memref<320000x128xf32, #tpu.memory_space<hbm>> -> memref<80x128xf32, #tpu.memory_space<hbm>>
        tpu.enqueue_dma source(%dma_start3A_196 : memref<80x128xf32, #tpu.memory_space<hbm>>) target(%dma_start3A_194 : memref<80x128xf32, #tpu.memory_space<vmem>>) target_semaphore(%dma_start3A_190 : memref<!tpu.dma_semaphore, #tpu.memory_space<semaphore_mem>>)
      } else {
      }
    }
    %scan3A_81 = arith.constant 125 : i32
    %rem3A = arith.constant 122 : i32
    %rem3A_82 = arith.constant 3 : i32
    %rem3A_83 = arith.remsi %rem3A, %rem3A_82 : i32
    %dma_wait3A_84 = arith.constant 122 : i32
    %dma_wait3A_85 = arith.constant 0 : i32
    %dma_wait3A_86 = arith.constant 0 : i32
    %dma_wait3A_87 = tpu.memref_slice %arg7[%rem3A_83, %dma_wait3A_85, %dma_wait3A_86] : memref<3x80x128xf32, #tpu.memory_space<vmem>> -> memref<1x80x128xf32, #tpu.memory_space<vmem>>
    %dma_wait3A_88 = tpu.memref_squeeze %dma_wait3A_87 : memref<1x80x128xf32, #tpu.memory_space<vmem>> -> memref<80x128xf32, #tpu.memory_space<vmem>>
    %dma_wait3A_89 = arith.constant 0 : i32
    %dma_wait3A_90 = tpu.memref_slice %arg6[%dma_wait3A_84, %dma_wait3A_89] : memref<125x80xi32, #tpu.memory_space<vmem>> -> memref<1x80xi32, #tpu.memory_space<vmem>>
    %dma_wait3A_91 = tpu.memref_squeeze %dma_wait3A_90 : memref<1x80xi32, #tpu.memory_space<vmem>> -> memref<80xi32, #tpu.memory_space<vmem>>
    %dma_wait3A_92 = arith.constant 0 : i32
    %dma_wait3A_93 = arith.constant 0 : i32
    %dma_wait3A_94 = tpu.memref_slice %arg8[%dma_wait3A_92, %dma_wait3A_93] : memref<10240x128xf32, #tpu.memory_space<vmem_shared>> -> memref<10240x128xf32, #tpu.memory_space<vmem_shared>>
    %dma_wait3A_95 = tpu.memref_slice %arg10[%rem3A_83] : memref<3x!tpu.dma_semaphore, #tpu.memory_space<semaphore_mem>> -> memref<1x!tpu.dma_semaphore, #tpu.memory_space<semaphore_mem>>
    %dma_wait3A_96 = tpu.memref_squeeze %dma_wait3A_95 : memref<1x!tpu.dma_semaphore, #tpu.memory_space<semaphore_mem>> -> memref<!tpu.dma_semaphore, #tpu.memory_space<semaphore_mem>>
    tpu.wait_indirect_dma semaphore(%dma_wait3A_96 : memref<!tpu.dma_semaphore, #tpu.memory_space<semaphore_mem>>) src(%dma_wait3A_88 : memref<80x128xf32, #tpu.memory_space<vmem>>) dst(%dma_wait3A_94 : memref<10240x128xf32, #tpu.memory_space<vmem_shared>>)
    %rem3A_97 = arith.constant 123 : i32
    %rem3A_98 = arith.constant 3 : i32
    %rem3A_99 = arith.remsi %rem3A_97, %rem3A_98 : i32
    %dma_wait3A_100 = arith.constant 123 : i32
    %dma_wait3A_101 = arith.constant 0 : i32
    %dma_wait3A_102 = arith.constant 0 : i32
    %dma_wait3A_103 = tpu.memref_slice %arg7[%rem3A_99, %dma_wait3A_101, %dma_wait3A_102] : memref<3x80x128xf32, #tpu.memory_space<vmem>> -> memref<1x80x128xf32, #tpu.memory_space<vmem>>
    %dma_wait3A_104 = tpu.memref_squeeze %dma_wait3A_103 : memref<1x80x128xf32, #tpu.memory_space<vmem>> -> memref<80x128xf32, #tpu.memory_space<vmem>>
    %dma_wait3A_105 = arith.constant 0 : i32
    %dma_wait3A_106 = tpu.memref_slice %arg6[%dma_wait3A_100, %dma_wait3A_105] : memref<125x80xi32, #tpu.memory_space<vmem>> -> memref<1x80xi32, #tpu.memory_space<vmem>>
    %dma_wait3A_107 = tpu.memref_squeeze %dma_wait3A_106 : memref<1x80xi32, #tpu.memory_space<vmem>> -> memref<80xi32, #tpu.memory_space<vmem>>
    %dma_wait3A_108 = arith.constant 0 : i32
    %dma_wait3A_109 = arith.constant 0 : i32
    %dma_wait3A_110 = tpu.memref_slice %arg8[%dma_wait3A_108, %dma_wait3A_109] : memref<10240x128xf32, #tpu.memory_space<vmem_shared>> -> memref<10240x128xf32, #tpu.memory_space<vmem_shared>>
    %dma_wait3A_111 = tpu.memref_slice %arg10[%rem3A_99] : memref<3x!tpu.dma_semaphore, #tpu.memory_space<semaphore_mem>> -> memref<1x!tpu.dma_semaphore, #tpu.memory_space<semaphore_mem>>
    %dma_wait3A_112 = tpu.memref_squeeze %dma_wait3A_111 : memref<1x!tpu.dma_semaphore, #tpu.memory_space<semaphore_mem>> -> memref<!tpu.dma_semaphore, #tpu.memory_space<semaphore_mem>>
    tpu.wait_indirect_dma semaphore(%dma_wait3A_112 : memref<!tpu.dma_semaphore, #tpu.memory_space<semaphore_mem>>) src(%dma_wait3A_104 : memref<80x128xf32, #tpu.memory_space<vmem>>) dst(%dma_wait3A_110 : memref<10240x128xf32, #tpu.memory_space<vmem_shared>>)
    %rem3A_113 = arith.constant 124 : i32
    %rem3A_114 = arith.constant 3 : i32
    %rem3A_115 = arith.remsi %rem3A_113, %rem3A_114 : i32
    %dma_wait3A_116 = arith.constant 124 : i32
    %dma_wait3A_117 = arith.constant 0 : i32
    %dma_wait3A_118 = arith.constant 0 : i32
    %dma_wait3A_119 = tpu.memref_slice %arg7[%rem3A_115, %dma_wait3A_117, %dma_wait3A_118] : memref<3x80x128xf32, #tpu.memory_space<vmem>> -> memref<1x80x128xf32, #tpu.memory_space<vmem>>
    %dma_wait3A_120 = tpu.memref_squeeze %dma_wait3A_119 : memref<1x80x128xf32, #tpu.memory_space<vmem>> -> memref<80x128xf32, #tpu.memory_space<vmem>>
    %dma_wait3A_121 = arith.constant 0 : i32
    %dma_wait3A_122 = tpu.memref_slice %arg6[%dma_wait3A_116, %dma_wait3A_121] : memref<125x80xi32, #tpu.memory_space<vmem>> -> memref<1x80xi32, #tpu.memory_space<vmem>>
    %dma_wait3A_123 = tpu.memref_squeeze %dma_wait3A_122 : memref<1x80xi32, #tpu.memory_space<vmem>> -> memref<80xi32, #tpu.memory_space<vmem>>
    %dma_wait3A_124 = arith.constant 0 : i32
    %dma_wait3A_125 = arith.constant 0 : i32
    %dma_wait3A_126 = tpu.memref_slice %arg8[%dma_wait3A_124, %dma_wait3A_125] : memref<10240x128xf32, #tpu.memory_space<vmem_shared>> -> memref<10240x128xf32, #tpu.memory_space<vmem_shared>>
    %dma_wait3A_127 = tpu.memref_slice %arg10[%rem3A_115] : memref<3x!tpu.dma_semaphore, #tpu.memory_space<semaphore_mem>> -> memref<1x!tpu.dma_semaphore, #tpu.memory_space<semaphore_mem>>
    %dma_wait3A_128 = tpu.memref_squeeze %dma_wait3A_127 : memref<1x!tpu.dma_semaphore, #tpu.memory_space<semaphore_mem>> -> memref<!tpu.dma_semaphore, #tpu.memory_space<semaphore_mem>>
    tpu.wait_indirect_dma semaphore(%dma_wait3A_128 : memref<!tpu.dma_semaphore, #tpu.memory_space<semaphore_mem>>) src(%dma_wait3A_120 : memref<80x128xf32, #tpu.memory_space<vmem>>) dst(%dma_wait3A_126 : memref<10240x128xf32, #tpu.memory_space<vmem_shared>>)
    %barrier3A_129 = arith.constant 0 : index
    tpu.barrier barrier_id(%barrier3A_129)
    "tpu.region"() ({
      %run_scoped3A = tpu.sem_alloc : memref<!tpu.dma_semaphore, #tpu.memory_space<semaphore_mem>>
      %dma_start3A_130 = arith.constant 0 : i32
      %dma_start3A_131 = tpu.memref_slice %arg5[%arg0, %mul3A_41, %dma_start3A_130] : memref<2x10240x128xf32, #tpu.memory_space<hbm>> -> memref<1x640x128xf32, #tpu.memory_space<hbm>>
      %dma_start3A_132 = tpu.memref_squeeze %dma_start3A_131 : memref<1x640x128xf32, #tpu.memory_space<hbm>> -> memref<640x128xf32, #tpu.memory_space<hbm>>
      %dma_start3A_133 = arith.constant 0 : i32
      %dma_start3A_134 = tpu.memref_slice %arg8[%mul3A_41, %dma_start3A_133] : memref<10240x128xf32, #tpu.memory_space<vmem_shared>> -> memref<640x128xf32, #tpu.memory_space<vmem_shared>>
      tpu.enqueue_dma source(%dma_start3A_134 : memref<640x128xf32, #tpu.memory_space<vmem_shared>>) target(%dma_start3A_132 : memref<640x128xf32, #tpu.memory_space<hbm>>) target_semaphore(%run_scoped3A : memref<!tpu.dma_semaphore, #tpu.memory_space<semaphore_mem>>)
      %dma_wait3A_135 = arith.constant 0 : i32
      %dma_wait3A_136 = tpu.memref_slice %arg5[%arg0, %mul3A_41, %dma_wait3A_135] : memref<2x10240x128xf32, #tpu.memory_space<hbm>> -> memref<1x640x128xf32, #tpu.memory_space<hbm>>
      %dma_wait3A_137 = tpu.memref_squeeze %dma_wait3A_136 : memref<1x640x128xf32, #tpu.memory_space<hbm>> -> memref<640x128xf32, #tpu.memory_space<hbm>>
      %dma_wait3A_138 = arith.constant 0 : i32
      %dma_wait3A_139 = tpu.memref_slice %arg8[%mul3A_41, %dma_wait3A_138] : memref<10240x128xf32, #tpu.memory_space<vmem_shared>> -> memref<640x128xf32, #tpu.memory_space<vmem_shared>>
      tpu.wait_dma2 semaphore(%run_scoped3A : memref<!tpu.dma_semaphore, #tpu.memory_space<semaphore_mem>>) src(%dma_wait3A_139 : memref<640x128xf32, #tpu.memory_space<vmem_shared>>) dst(%dma_wait3A_137 : memref<640x128xf32, #tpu.memory_space<hbm>>)
      tpu.yield
    }) : () -> ()
    return
  }
}

module attributes {stable_mosaic.version = 14 : i64} {
  func.func @_merge_body(%arg0: i32, %arg1: memref<2x5000x128xf32, #tpu.memory_space<vmem>>, %arg2: memref<5000x128xf32, #tpu.memory_space<vmem>>) attributes {dimension_semantics = [#tpu.dimension_semantics<arbitrary>], iteration_bounds = array<i64: 2>, scalar_prefetch = 0 : i64, scratch_operands = 0 : i64, tpu.core_type = #tpu.core_type<tc>, window_params = [{transform_indices = @transform_0, window_bounds = array<i64: 2, 5000, 128>}, {transform_indices = @transform_1, window_bounds = array<i64: 5000, 128>}]} {
    %get3A = arith.constant 0 : index
    %get3A_0 = arith.constant 0 : index
    %get3A_1 = arith.constant 0 : index
    %get3A_2 = vector.load %arg1[%get3A, %get3A_0, %get3A_1] : memref<2x5000x128xf32, #tpu.memory_space<vmem>>, vector<1x5000x128xf32>
    %get3A_3 = vector.shape_cast %get3A_2 : vector<1x5000x128xf32> to vector<5000x128xf32>
    %get3A_4 = arith.constant 1 : index
    %get3A_5 = arith.constant 0 : index
    %get3A_6 = arith.constant 0 : index
    %get3A_7 = vector.load %arg1[%get3A_4, %get3A_5, %get3A_6] : memref<2x5000x128xf32, #tpu.memory_space<vmem>>, vector<1x5000x128xf32>
    %get3A_8 = vector.shape_cast %get3A_7 : vector<1x5000x128xf32> to vector<5000x128xf32>
    %add3A = arith.addf %get3A_3, %get3A_8 : vector<5000x128xf32>
    %swap3A = arith.constant 0 : index
    %swap3A_9 = arith.constant 0 : index
    %swap3A_10 = vector.load %arg2[%swap3A, %swap3A_9] : memref<5000x128xf32, #tpu.memory_space<vmem>>, vector<5000x128xf32>
    tpu.vector_store %arg2[%swap3A, %swap3A_9], %add3A {strides = array<i32>} : memref<5000x128xf32, #tpu.memory_space<vmem>>, vector<5000x128xf32>,
    return
  }
  func.func @transform_0(%arg0: i32) -> (i32, i32, i32) {
    %c0_i32 = arith.constant 0 : i32
    %c0_i32_0 = arith.constant 0 : i32
    %c0_i32_1 = arith.constant 0 : i32
    return %c0_i32, %arg0, %c0_i32_0 : i32, i32, i32
  }
  func.func @transform_1(%arg0: i32) -> (i32, i32) {
    %c0_i32 = arith.constant 0 : i32
    %c0_i32_0 = arith.constant 0 : i32
    return %arg0, %c0_i32 : i32, i32
  }
}

</mosaic_0001>

<sc_bundles>
// kernel: kernel.4.cloned.1.call-start
scs
__scs_entry_jumppad:
0x0: {  	(pc) =	sbr.rel $0x88, $3  }
0x1: {  	(tag) =	ssettag $0x0;
	lr =	simm.s32 $0x1  }
0x2: {  	[smem:$0x3F9F] =	sst lr;
	_ =	strace $0xD0000000  }
0x3: {  	_ = 	snop  }
0x4: {  	_ = 	snop  }
0x5: {  	_ = 	snop  }
0x6: {  	_ = 	snop  }
0x7: {  	_ = 	snop  }
__scs_overlays_trampoline_lowered:
0x8: {  	[smem:$0x3FAE] =	sst s0  }
0x9: {  	[smem:$0x3FAF] =	sst s1  }
0xa: {  	[smem:$0x3FB0] =	sst s2  }
0xb: {  	[smem:$0x3FB1] =	sst s3  }
0xc: {  	[smem:$0x3FB2] =	sst s4  }
0xd: {  	[smem:$0x3FB3] =	sst s5  }
0xe: {  	[smem:$0x3FB4] =	sst s6  }
0xf: {  	[smem:$0x3FB5] =	sst s7  }
0x10: {  	[smem:$0x3FB6] =	sst s8  }
0x11: {  	[smem:$0x3FB7] =	sst s9;
	s0 =	simm.s32 @!p0 $0x0  }
0x12: {  	s1 =	sld [smem:$0x3F9D];
	s0 =	simm.s32 @p0 $0x1  }
0x13: {  	[smem:$0x3FB8] =	sst s0;
	s0 =	simm.s32 @!p1 $0x0  }
0x14: {  	s2 =	sld [smem:$0x3F9C];
	s0 =	simm.s32 @p1 $0x1  }
0x15: {  	[smem:$0x3FB9] =	sst s0;
	s0 =	simm.s32 @!p2 $0x0  }
0x16: {  	s3 =	sld [smem:$0x3FDB];
	s0 =	simm.s32 @p2 $0x1  }
0x17: {  	s4 =	simm.s32 $0x1BF5;
	[smem:$0x3FBB] =	sst s0  }
0x18: {  	s0 =	sld [smem:$0x3F9E];
	_ =	swait.ge [sflag:s4], $0x0  }
0x19: {  	s7 =	sld [smem:$0x3F9F]  }
0x1a: {  	s8 =	sadd.s32 $0xFFFFE003, lr  }
0x1b: {  	s9 =	sadd.s32 $0xFFFFFEF7, lr;
	s5 =	simm.s32 $0xFFFFFFFF;
	p2 =	slt.u32 s8, $0xFFFFF086  }
0x1c: {  	p1 =	slt.u32 s9, $0xF7A;
	s5 =	simm.s32 @!p2 $0x0  }
0x1d: {  	s5 =	simm.s32 @p1 $0x1;
	p0 =	seq.s32 s7, s2  }
0x1e: {  	s7 =	smul.u32 @!p0 $0xF7A, s2;
	p2 =	seq.s32 @!p0 s5, $0x0  }
0x1f: {  	s9 =	smul.u32 $0xF7A, s1;
	s8 =	simm.s32 @!p0 $0x1BF5;
	p2 =	por !p2, p0  }
0x20: {  	[sflag:s8] =	ssyncset.s32 @!p0 $0xFFFFF086;
	s6 =	sadd.s32 @!p0 s3, s7;
	s7 =	simm.s32 @!p0 $0x108  }
0x21: {  	s3 =	sadd.s32 s3, s9;
	s6 =	sadd.s32 @!p0 $0x88, s6;
	s7 =	simm.s32 @p2 $0x1082  }
0x22: {  	[simem:s7], [sflag:s8] =	dma.local @!p0 [hbm:s6], $0xF7A  }
0x23: {  	s9 =	sor.u32 $0xD0000000, s2;
	s6 =	simm.s32 $0x108;
	_ =	swait.ge @!p0 [sflag:s8], $0x0  }
0x24: {  	s3 =	sadd.s32 $0x88, s3;
	s6 =	simm.s32 @!p1 $0x1082;
	[sflag:s4] =	ssyncset.s32 $0xFFFFF086  }
0x25: {  	[simem:s6], [sflag:s4] =	dma.local [hbm:s3], $0xF7A  }
0x26: {  	[smem:$0x3F9F] =	sst s1;
	(tag) =	ssettag s2;
	_ =	strace s9  }
0x27: {  	s1 =	sld [smem:$0x3FAF]  }
0x28: {  	s2 =	sld [smem:$0x3FB0]  }
0x29: {  	s4 =	sld [smem:$0x3FB2]  }
0x2a: {  	p0 =	seq.s32 s5, $0x0;
	s5 =	sld [smem:$0x3FB3]  }
0x2b: {  	s6 =	sld [smem:$0x3FB4]  }
0x2c: {  	s7 =	sld [smem:$0x3FB5]  }
0x2d: {  	s3 =	simm.s32 $0x108;
	s8 =	sld [smem:$0x3FB6]  }
0x2e: {  	s3 =	simm.s32 @!p0 $0x1082;
	s9 =	sld [smem:$0x3FB7]  }
0x2f: {  	lr =	sadd.s32 s0, s3;
	s0 =	sld [smem:$0x3FAE]  }
0x30: {  	s3 =	sld [smem:$0x3FB1]  }
0x31: {  	[smem:$0x3FBA] =	sst s10  }
0x32: {  	s10 =	sld [smem:$0x3FB8];
	_ =	sdelay $0x3  }
0x33: {  	p0 =	seq.s32 s10, $0x1;
	s10 =	sld [smem:$0x3FBA];
	_ =	sdelay $0x3  }
0x34: {  	[smem:$0x3FBA] =	sst s10  }
0x35: {  	s10 =	sld [smem:$0x3FB9];
	_ =	sdelay $0x3  }
0x36: {  	p1 =	seq.s32 s10, $0x1;
	s10 =	sld [smem:$0x3FBA];
	_ =	sdelay $0x3  }
0x37: {  	[smem:$0x3FBA] =	sst s10  }
0x38: {  	s10 =	sld [smem:$0x3FBB]  }
0x39: {  	_ = 	snop;
	(pc) =	sbr.ind lr, $3  }
0x3a: {  	_ = 	snop  }
0x3b: {  	_ = 	snop  }
0x3c: {  	p2 =	seq.s32 s10, $0x1;
	s10 =	sld [smem:$0x3FBA]  }
0x3d: {  	_ =	shalt  }
0x3e: {  	_ =	shalt  }
0x3f: {  	_ =	shalt  }
0x40: {  	_ =	shalt  }
0x41: {  	_ =	shalt  }
0x42: {  	_ =	shalt  }
0x43: {  	_ =	shalt  }
0x44: {  	_ =	shalt  }
0x45: {  	_ =	shalt  }
0x46: {  	_ =	shalt  }
0x47: {  	_ =	shalt  }
0x48: {  	_ =	shalt  }
0x49: {  	_ =	shalt  }
0x4a: {  	_ =	shalt  }
0x4b: {  	_ =	shalt  }
0x4c: {  	_ =	shalt  }
0x4d: {  	_ =	shalt  }
0x4e: {  	_ =	shalt  }
0x4f: {  	_ =	shalt  }
0x50: {  	_ =	shalt  }
0x51: {  	_ =	shalt  }
0x52: {  	_ =	shalt  }
0x53: {  	_ =	shalt  }
0x54: {  	_ =	shalt  }
0x55: {  	_ =	shalt  }
0x56: {  	_ =	shalt  }
0x57: {  	_ =	shalt  }
0x58: {  	_ =	shalt  }
0x59: {  	_ =	shalt  }
0x5a: {  	_ =	shalt  }
0x5b: {  	_ =	shalt  }
0x5c: {  	_ =	shalt  }
0x5d: {  	_ =	shalt  }
0x5e: {  	_ =	shalt  }
0x5f: {  	_ =	shalt  }
0x60: {  	_ =	shalt  }
0x61: {  	_ =	shalt  }
0x62: {  	_ =	shalt  }
0x63: {  	_ =	shalt  }
0x64: {  	_ =	shalt  }
0x65: {  	_ =	shalt  }
0x66: {  	_ =	shalt  }
0x67: {  	_ =	shalt  }
0x68: {  	_ =	shalt  }
0x69: {  	_ =	shalt  }
0x6a: {  	_ =	shalt  }
0x6b: {  	_ =	shalt  }
0x6c: {  	_ =	shalt  }
0x6d: {  	_ =	shalt  }
0x6e: {  	_ =	shalt  }
0x6f: {  	_ =	shalt  }
0x70: {  	_ =	shalt  }
0x71: {  	_ =	shalt  }
0x72: {  	_ =	shalt  }
0x73: {  	_ =	shalt  }
0x74: {  	_ =	shalt  }
0x75: {  	_ =	shalt  }
0x76: {  	_ =	shalt  }
0x77: {  	_ =	shalt  }
0x78: {  	_ =	shalt  }
0x79: {  	_ =	shalt  }
0x7a: {  	_ =	shalt  }
0x7b: {  	_ =	shalt  }
0x7c: {  	_ =	shalt  }
0x7d: {  	_ =	shalt  }
0x7e: {  	_ =	shalt  }
0x7f: {  	_ =	shalt  }
0x80: {  	_ =	shalt  }
0x81: {  	_ =	shalt  }
0x82: {  	_ =	shalt  }
0x83: {  	_ =	shalt  }
0x84: {  	_ =	shalt  }
0x85: {  	_ =	shalt  }
0x86: {  	_ =	shalt  }
0x87: {  	_ =	shalt  }
.Lfunc_end0:
.L_simem_size_0:
called_computation_lowered:
.L_overlay_start_0:
0x88: {  	s2 =	sld [smem:$0x3FD9]  }
0x89: {  	s3 =	sld [smem:$0x3FFE];
	_ =	sdelay $0x1  }
0x8a: {  	s1 =	srdreg.scid  }
0x8b: {  	s0 =	sand.u32 $0x1, s1  }
0x8c: {  	s17 =	sshll.u32 s0, $0xA;
	s2 =	sadd.s32 s3, s2  }
0x8d: {  	s2 =	sadd.s32 s2, s17  }
0x8e: {  	[smem:$0x3FC6] =	sst s2  }
0x8f: {  	_ = 	snop  }
0x90: {  	s2 =	sld [smem:$0x3FC8]  }
0x91: {  	s18 =	sld [smem:$0x3FD0];
	(tm) =	ssettm $0x1  }
0x92: {  	s4 =	sld [smem:$0x3FFB];
	_ =	sdelay $0x3  }
0x93: {  	_ =	strace s4  }
0x94: {  	s4 =	sld [smem:$0x3FFC];
	_ =	sdelay $0x3  }
0x95: {  	_ =	strace s4  }
0x96: {  	s4 =	sld [smem:$0x3FFD];
	_ =	sdelay $0x3  }
0x97: {  	_ =	strace s4  }
0x98: {  	_ =	strace $0x8FFFFFFF  }
0x99: {  	s19 =	sld [smem:$0x3FDB];
	_ =	sdelay $0x1  }
0x9a: {  	s5 =	simm.s32 $_scs_section_size  }
0x9b: {  	s6 =	simm.s32 $_size__tile_overlayer_lowered;
	s7 =	simm.s32 $_tile_overlayer_lowered  }
0x9c: {  	s22 =	simm.s32 $0x1BFF;
	s21 =	sshll.u32 s7, $0x1;
	s4 =	sadd.s32 s5, s19  }
0x9d: {  	s8 =	simm.s32 $0x0;
	s20 =	sshll.u32 s6, $0x1;
	s6 =	sadd.s32 s21, s4  }
0x9e: {  	[timem:s8], [sflag:s22] =	dma.local [hbm:s6], s20  }
0x9f: {  	_ =	swait.ge [sflag:s22], s20  }
0xa0: {  	s5 =	ssub.s32 $0x0, s20;
	[sflag:s22] =	ssyncset.done $0x0  }
0xa1: {  	[sflag:s22] =	ssyncadd.s32 s5;
	_ =	sdelay $0x1  }
0xa2: {  	s23 =	simm.s32 $0x1B8B  }
0xa3: {  	_ =	swait.ge [sflag:s23], $0x1  }
0xa4: {  	[sflag:s23] =	ssyncset.done $0x0  }
0xa5: {  	s25 =	simm.s32 $0x1B8E;
	s24 =	sld [smem:$0x3FFE];
	[sflag:s23] =	ssyncadd.s32 $0xFFFFFFFF  }
0xa6: {  	s26 =	simm.s32 $execute0_lowered;
	[smem:$0x3FD2] =	sst s25  }
0xa7: {  	s6 =	sshll.u32 s26, $0x1;
	_ =	strace $0x80000046;
	[dreg:$0x1] =	wrdreg $0xFFFFFFFF  }
0xa8: {  	s28 =	simm.s32 $_size_execute0_lowered;
	s4 =	sadd.s32 s4, s6;
	[dreg:$0x0] =	wrdreg $0x0  }
0xa9: {  	s6 =	sshll.u32 s28, $0x1;
	[dreg:$0x2] =	wrdreg s4  }
0xaa: {  	[dreg:$0x3] =	wrdreg s6  }
0xab: {  	[dreg:$0x4] =	wrdreg $0xC0  }
0xac: {  	_ =	task [dreg:s8], $0x5FFFF  }
0xad: {  	[dreg:$0x1] =	wrdreg $0xFFFFFFFF  }
0xae: {  	[dreg:$0x0] =	wrdreg $0x60  }
0xaf: {  	[dreg:$0x2] =	wrdreg s18  }
0xb0: {  	[dreg:$0x3] =	wrdreg s2  }
0xb1: {  	[dreg:$0x4] =	wrdreg s24  }
0xb2: {  	[dreg:$0x5] =	wrdreg $0xB8000  }
0xb3: {  	[dreg:$0x6] =	wrdreg $0x9  }
0xb4: {  	_ =	task.clear_ibuf [dreg:s8], $0x7FFFF;
	_ =	strace $0x90000046  }
0xb5: {  	s29 =	simm.s32 $0x9;
	_ =	strace $0x80000048  }
0xb6: {  	_ =	swait.ge [sflag:s29], $0x1  }
0xb7: {  	[sflag:s29] =	ssyncadd.s32 $0xFFFFFFFF  }
0xb8: {  	_ =	strace $0x90000048  }
0xb9: {  	_ =	sfence  }
0xba: {  	s30 =	sld [smem:$0x0];
	_ =	sdelay $0x2  }
0xbb: {  	s31 =	sshll.u32 s1, $0xD;
	s1 =	sshrl.u32 s1, $0x2  }
0xbc: {  	s3 =	sand.u32 $0x4000, s31;
	s1 =	sadd.s32 s1, s30  }
0xbd: {  	s0 =	sor.u32 s3, s0;
	s1 =	sshll.u32 s1, $0x11  }
0xbe: {  	s0 =	sor.u32 s1, s0  }
0xbf: {  	s0 =	sadd.s32 $0x8F2B, s0  }
0xc0: {  	[sflag:s0] =	ssyncadd.remote.s32 $0x1  }
0xc1: {  	_ =	sfence.sel $0xFFFF  }
0xc2: {  	[dreg:$0x0] =	wrdreg $0xFFFFFFFF;
	(pc) =	sbr.abs _section_cstart, $3  }
0xc3: {  	[dreg:$0x1] =	wrdreg $0xFFFFFFFF  }
0xc4: {  	_ =	task.clear_ibuf [dreg:s8], $0x2FFFF;
	_ =	strace $0x9FFFFFFF  }
0xc5: {  	(tm) =	ssettm $0x7FFFFFFF  }
tec
execute0_lowered:
.L_overlay_start_1:
0x0: {  	(tag) =	ssettag $0x1  }
0x1: {  	s0 =	rddreg [dreg:$0x0]  }
0x2: {  	s1 =	rddreg [dreg:$0x1]  }
0x3: {  	s4 =	rddreg [dreg:$0x2]  }
0x4: {  	s2 =	rddreg [dreg:$0x3];
	s15 =	stileid.u32  }
0x5: {  	s5 =	srdreg.scid;
	s3 =	simm.s32 $0x0;
	s16 =	simm.s32 $0x7  }
0x6: {  	s17 =	simm.s32 $0x8;
	s18 =	simm.s32 $0x50;
	s6 =	smul.u32 $0x14000, s15  }
0x7: {  	s19 =	simm.s32 $0x6;
	s20 =	simm.s32 $0x4;
	s13 =	smul.u32 $0x50000, s15  }
0x8: {  	s8 =	sand.u32 $0x1, s5;
	[smem:$0x7FF] =	sst s3;
	s28 =	smul.u32 $0x4E200, s15  }
0x9: {  	s7 =	sshll.u32 s15, $0x1;
	s5 =	smul.u32 $0x140000, s8;
	_ =	strace $0x80000047  }
0xa: {  	s10 =	sor.u32 s8, s7;
	s23 =	ssub.s32 $0x2, s8;
	s30 =	smul.u32 $0x27100, s8  }
0xb: {  	s7 =	sshll.u32 s15, $0x6;
	s9 =	sshrl.u32 s6, $0x3;
	s22 =	smul.u32 $0x138800, s10  }
0xc: {  	s11 =	smul.u32 $0x27100, s10;
	s12 =	sshrl.u32 s23, $0x1;
	s26 =	sshrl.u32 s13, $0x2  }
0xd: {  	s29 =	sshll.u32 s10, $0xB;
	s8 =	sor.u32 $0x1C07, s7;
	s31 =	sadd.s32 s28, s1  }
0xe: {  	s21 =	sadd.s32 s9, s4;
	s5 =	sadd.s32 s6, s5;
	s12 =	ssub.s32 s23, s12  }
0xf: {  	s13 =	sadd.s32 s26, s2;
	s9 =	sadd.s32 s0, s29;
	s0 =	sadd.s32 s30, s31  }
0x10: {  	s23 =	simm.s32 $0x0;
	s5 =	sshrl.u32 s5, $0x3;
	s6 =	sshrl.u32 s22, $0x3  }
0x11: {  	s25 =	sadd.s32 s1, s11;
	s11 =	smax.u32 s12, $0x1;
	s12 =	sadd.s32 $0xA00, s0  }
0x12: {  	s15 =	sshrl.u32 s13, $0x3;
	s22 =	simm.s32 $0x9;
	s14 =	sadd.s32 s5, s4  }
0x13: {  	s24 =	sadd.s32 s1, s6;
	[dreg:$0x5] =	wrdreg s25;
	s6 =	sadd.s32 $0x200, s21  }
0x14: {  	s21 =	simm.s32 $0x5;
	s5 =	sadd.s32 $0x500, s24;
	s10 =	sadd.s32 $0x28200, s14  }
.LBB2_1:
0x15: {  	s0 =	rddreg [dreg:$0x5];
	s1 =	simm.s32 $0x4000;
	s25 =	simm.s32 $0x6800  }
0x16: {  	s26 =	smul.u32 $0xAB, s3;
	p0 =	por $0x0, $0x0;
	s24 =	simm.s32 $0x1  }
0x17: {  	[tilespmem:s1], [sflag:$0x1] =	stream.linear.gather [hbm4b:s0+s3], $0x2800, $0x38;
	[tilespmem:$0x1F800] =	vst v63  }
0x18: {  	s29 =	simm.s32 $0x2;
	s30 =	smov.u32 s12;
	s1 =	simm.s32 $0x2  }
0x19: {  	[tilespmem:s25], [sflag:$0x2] =	stream.linear.gather [hbm4b:s5+s3], $0x2800, $0x38;
	[tilespmem:$0x1F800] =	vst v63  }
0x1a: {  	[spmem:s15], [sflag:s8] =	dma.local [hbm:s6], $0x2800  }
0x1b: {  	[tilespmem:s3], [sflag:$0x8] =	stream.linear.gather [hbm4b:s9+s3], $0x3E80, $0x38;
	[tilespmem:$0x1F800] =	vst v63  }
0x1c: {  	s28 =	smul.u32 $0xAB, s24;
	s0 =	sshrl.u32 s26, $0x9;
	_ =	swait.ge [sflag:s16], $0x2800  }
0x1d: {  	s1 =	smul.u32 @!p0 $0xAB, s1;
	s0 =	sand.u32 $0x7F, s0;
	[sflag:s16] =	ssyncset.done $0x0  }
0x1e: {  	p1 =	por @!p0 $0x1, $0x1;
	s0 =	smul.u32 $0x3, s0;
	[sflag:s16] =	ssyncadd.s32 $0xFFFFD800  }
0x1f: {  	p1 =	por p1, p0;
	s1 =	sshrl.u32 @!p0 s1, $0x9;
	_ =	swait.ge [sflag:s17], $0x3E80  }
0x20: {  	s1 =	sand.u32 @!p0 $0x7F, s1;
	s0 =	ssub.s32 $0x0, s0;
	[sflag:s17] =	ssyncset.done $0x0  }
0x21: {  	s1 =	smul.u32 @!p0 $0x3, s1;
	s0 =	sand.u32 $0xFF, s0;
	[sflag:s17] =	ssyncadd.s32 $0xFFFFC180  }
0x22: {  	s13 =	sadd.s32 $0x1, s0;
	s25 =	smul.u32 $0xA000, s0;
	[bflag:$0x0] =	sbarrier.arrive $0xFFFF  }
0x23: {  	s26 =	simm.s32 $0x80;
	s0 =	sor.u32 $0x4, s0;
	_ =	swait.ge [sflag:s13], $0x2800  }
0x24: {  	s1 =	ssub.s32 @!p0 $0x2, s1;
	s25 =	sshrl.u32 s25, $0x2;
	[sflag:s13] =	ssyncset.done $0x0  }
0x25: {  	s1 =	sand.u32 @!p0 $0xFF, s1;
	s25 =	sadd.s32 $0x4000, s25;
	[sflag:s13] =	ssyncadd.s32 $0xFFFFD800  }
0x26: {  	[spmem:s2] =	stream.indirect.scatter.add.f32 [tilespmem:s25], [sflag:s0], $0x80, s3, s18, $0xb8;
	[tilespmem:$0x1F800] =	vst v63  }
0x27: {  	s31 =	sadd.s32 @!p0 $0x1, s1;
	s13 =	smul.u32 @!p0 $0xA000, s1;
	s0 =	sadd.s32 @!p1 $0x4, s1  }
0x28: {  	s1 =	simm.s32 @!p0 $0x0;
	s25 =	sadd.s32 $0x500, s12;
	_ =	swait.ge @!p1 [sflag:s0], $0x2800  }
.LBB2_2:
0x29: {  	s14 =	sshrl.u32 s28, $0x9  }
0x2a: {  	[sflag:s0] =	ssyncset.done @!p1 $0x0;
	s13 =	sshrl.u32 @!p0 s13, $0x2;
	s4 =	smov.u32 s29  }
0x2b: {  	s28 =	smul.u32 $0xAB, s29;
	[sflag:s0] =	ssyncadd.s32 @!p1 $0xFFFFD800;
	s0 =	sadd.s32 @!p0 $0x4000, s13  }
0x2c: {  	[tilespmem:s0], [sflag:s31] =	stream.linear.gather @!p0 [hbm4b:s30+s1], $0x2800, $0x38;
	[tilespmem:$0x1F800] =	vst v63  }
0x2d: {  	s29 =	sadd.s32 $0x1, s29;
	s0 =	sand.u32 $0x7F, s14  }
0x2e: {  	s1 =	sadd.s32 $0x2, s24;
	p0 =	sgt.u32 s24, $0x7A;
	s0 =	smul.u32 $0x3, s0  }
0x2f: {  	p2 =	sne.s32 s29, $0x7D;
	s13 =	smul.u32 @!p0 $0xAB, s1  }
0x30: {  	s30 =	smov.u32 s25;
	p1 =	seq.s32 @!p0 s24, $0x0;
	s0 =	ssub.s32 s24, s0  }
0x31: {  	s24 =	smov.u32 s4;
	s4 =	sshrl.u32 @!p0 s13, $0x9;
	s0 =	sand.u32 $0xFF, s0  }
0x32: {  	s4 =	sand.u32 @!p0 $0x7F, s4;
	s14 =	smul.u32 $0xA000, s0  }
0x33: {  	s13 =	sadd.s32 $0x1, s0;
	s4 =	smul.u32 @!p0 $0x3, s4  }
0x34: {  	p1 =	por p1, p0;
	s0 =	sor.u32 $0x4, s0;
	_ =	swait.ge [sflag:s13], $0x2800  }
0x35: {  	s14 =	sshrl.u32 s14, $0x2;
	s1 =	ssub.s32 @!p0 s1, s4;
	[sflag:s13] =	ssyncset.done $0x0  }
.Ltmp0:
0x36: {  	s14 =	sadd.s32 $0x4000, s14;
	[sflag:s13] =	ssyncadd.s32 $0xFFFFD800;
	(pc) =	sbr.rel @p2 .LBB2_2-.Ltmp0, $4  }
0x37: {  	[spmem:s2] =	stream.indirect.scatter.add.f32 [tilespmem:s14], [sflag:s0], $0x80, s26, s18, $0xb8;
	[tilespmem:$0x1F800] =	vst v63  }
0x38: {  	s1 =	sand.u32 @!p0 $0xFF, s1;
	s26 =	sadd.s32 $0x80, s26  }
0x39: {  	s13 =	smul.u32 @!p0 $0xA000, s1;
	s31 =	sadd.s32 @!p0 $0x1, s1;
	s0 =	sadd.s32 @!p1 $0x4, s1  }
0x3a: {  	s25 =	sadd.s32 $0x500, s25;
	s1 =	simm.s32 @!p0 $0x0;
	_ =	swait.ge @!p1 [sflag:s0], $0x2800  }
0x3b: {  	[sflag:s0] =	ssyncset.done @!p1 $0x0;
	s4 =	sshrl.u32 @!p0 s13, $0x2;
	s28 =	sshrl.u32 s28, $0x9  }
0x3c: {  	[sflag:s0] =	ssyncadd.s32 @!p1 $0xFFFFD800;
	s0 =	sadd.s32 @!p0 $0x4000, s4;
	s29 =	sand.u32 $0x7F, s28  }
0x3d: {  	[tilespmem:s0], [sflag:s31] =	stream.linear.gather @!p0 [hbm4b:s30+s1], $0x2800, $0x38;
	[tilespmem:$0x1F800] =	vst v63  }
0x3e: {  	s1 =	sadd.s32 $0x2, s24;
	s0 =	smul.u32 $0x3, s29;
	p0 =	sgt.u32 s24, $0x7A  }
0x3f: {  	s4 =	smul.u32 @!p0 $0xAB, s1  }
0x40: {  	s0 =	ssub.s32 s24, s0  }
0x41: {  	s0 =	sand.u32 $0xFF, s0;
	s4 =	sshrl.u32 @!p0 s4, $0x9  }
0x42: {  	s30 =	sadd.s32 $0x1, s0;
	s14 =	smul.u32 $0xA000, s0;
	s4 =	sand.u32 @!p0 $0x7F, s4  }
0x43: {  	p1 =	seq.s32 @!p0 s24, $0x0;
	_ =	swait.ge [sflag:s30], $0x2800;
	s4 =	smul.u32 @!p0 $0x3, s4  }
0x44: {  	s0 =	sor.u32 $0x4, s0;
	s14 =	sshrl.u32 s14, $0x2;
	[sflag:s30] =	ssyncset.done $0x0  }
0x45: {  	s14 =	sadd.s32 $0x4000, s14;
	[sflag:s30] =	ssyncadd.s32 $0xFFFFD800;
	s1 =	ssub.s32 @!p0 s1, s4  }
0x46: {  	[spmem:s2] =	stream.indirect.scatter.add.f32 [tilespmem:s14], [sflag:s0], $0x80, s26, s18, $0xb8;
	[tilespmem:$0x1F800] =	vst v63  }
0x47: {  	p1 =	por p1, p0;
	s0 =	sand.u32 @!p0 $0xFF, s1  }
0x48: {  	s1 =	sadd.s32 @!p1 $0x4, s0;
	s4 =	smul.u32 @!p0 $0xA000, s0  }
0x49: {  	_ =	swait.ge @!p1 [sflag:s1], $0x2800  }
0x4a: {  	s13 =	simm.s32 @!p0 $0x0;
	[sflag:s1] =	ssyncset.done @!p1 $0x0;
	s4 =	sshrl.u32 @!p0 s4, $0x2  }
0x4b: {  	s0 =	sadd.s32 @!p0 $0x1, s0;
	[sflag:s1] =	ssyncadd.s32 @!p1 $0xFFFFD800;
	s1 =	sadd.s32 @!p0 $0x4000, s4  }
0x4c: {  	[tilespmem:s1], [sflag:s0] =	stream.linear.gather @!p0 [hbm4b:s25+s13], $0x2800, $0x38;
	[tilespmem:$0x1F800] =	vst v63  }
0x4d: {  	_ =	swait.ge [sflag:s19], $0x2800  }
0x4e: {  	[sflag:s19] =	ssyncset.done $0x0  }
0x4f: {  	[sflag:s19] =	ssyncadd.s32 $0xFFFFD800  }
0x50: {  	_ =	swait.ge [sflag:s20], $0x2800  }
0x51: {  	[sflag:s20] =	ssyncset.done $0x0  }
0x52: {  	[sflag:s20] =	ssyncadd.s32 $0xFFFFD800  }
0x53: {  	_ =	swait.ge [sflag:s21], $0x2800  }
0x54: {  	s23 =	sadd.s32 $0x1, s23;
	[sflag:s21] =	ssyncset.done $0x0  }
0x55: {  	p0 =	sne.s32 s23, s11;
	[sflag:s21] =	ssyncadd.s32 $0xFFFFD800  }
.Ltmp1:
0x56: {  	s31 =	sor.u32 $0x1C09, s7;
	[bflag:$0x0] =	sbarrier.arrive $0xFFFF;
	(pc) =	sbr.rel @p0 .LBB2_1-.Ltmp1, $4  }
0x57: {  	[hbm:s10], [sflag:s31] =	dma.local [spmem:s15], $0x2800  }
0x58: {  	_ =	swait.ge [sflag:s22], $0x2800  }
0x59: {  	[sflag:s22] =	ssyncset.done $0x0  }
0x5a: {  	[sflag:s22] =	ssyncadd.s32 $0xFFFFD800  }
0x5b: {  	_ =	sfence.sel $0x180000  }
0x5c: {  	[bflag:$0x0] =	sbarrier.arrive $0xFFFF  }
0x5d: {  	_ =	strace $0x90000047  }
0x5e: {  	s0 =	stileid.u32;
	[bflag:$0x2] =	sbarrier.arrive $0xFFFF  }
0x5f: {  	p0 =	sne.s32 s0, $0x0;
	s0 =	rddreg [dreg:$0x4]  }
0x60: {  	s0 =	sadd.s32 @!p0 $0x100000, s0  }
0x61: {  	[sflag:s0] =	ssyncadd.tile.s32 @!p0 $0x1;
	_ =	shalt  }
.Lfunc_end2:
_tile_overlayer_lowered:
.L_overlay_start_2:
0x62: {  	(tag) =	ssettag $0x2  }
0x63: {  	s0 =	rddreg [dreg:$0x0];
	s2 =	stileid.u32  }
0x64: {  	s1 =	rddreg [dreg:$0x1];
	p0 =	sne.s32 s2, $0x0  }
0x65: {  	s3 =	rddreg [dreg:$0x2];
	[bflag:$0x3] =	sbarrier.arrive $0xFFFF;
	s2 =	simm.s32 @!p0 $0x1C09  }
0x66: {  	[timem:s3], [sflag:s2] =	dma.local @!p0 [hbm:s0], s1  }
0x67: {  	s0 =	simm.s32 @!p0 $0x9  }
0x68: {  	_ =	swait.ge @!p0 [sflag:s0], s1  }
0x69: {  	s1 =	ssub.s32 @!p0 $0x0, s1;
	[sflag:s0] =	ssyncset.done @!p0 $0x0  }
0x6a: {  	[sflag:s0] =	ssyncadd.s32 @!p0 s1  }
0x6b: {  	[bflag:$0x3] =	sbarrier.arrive $0xFFFF  }
0x6c: {  	_ =	shalt  }

</sc_bundles>
